<compile_context>
chip_gen: v7x
topology: tpu7x:2x2x1
jax: 0.10.2.dev20260603
libtpu: 0.0.44.dev20260713+nightly
codegen_flags: <defaults>
</compile_context>

<pallas_src>
import functools

import jax
import jax.numpy as jnp
from jax import lax
from jax.experimental import pallas as pl
from jax.experimental.pallas import tpu as pltpu
from jax.experimental.pallas import tpu_sc as plsc

_BETA = 0.25
_TB = 32


def _pq_step(zn_ref, ze_ref, cb_ref, tok_ref, loss_ref, util_ref):
    t = pl.program_id(0)
    TB, B, D = ze_ref.shape
    K = cb_ref.shape[1]

    @pl.when(t == 0)
    def _init():
        loss_ref[:, :] = jnp.zeros((1, 1), jnp.float32)
        util_ref[:, :] = jnp.zeros((1, 1), jnp.float32)

    ze_all = ze_ref[:]
    cb_all = cb_ref[:]
    zn_all = zn_ref[:, 0, :]

    scores = jnp.stack([
        jax.lax.dot_general(ze_all[i], cb_all[i],
                            dimension_numbers=(((1,), (1,)), ((), ())))
        for i in range(TB)
    ])

    cbn = jnp.sum(cb_all * cb_all, axis=-1)
    dist = (zn_all[:, :, None] - 2.0 * scores) + cbn[:, None, :]
    m = jnp.min(dist, axis=-1, keepdims=True)
    mask = dist == m
    iota_k = jax.lax.broadcasted_iota(jnp.int32, (TB, B, K), 2)
    k_idx = jnp.min(jnp.where(mask, iota_k, K), axis=-1).astype(jnp.int32)
    tok_ref[:, 0, :] = k_idx

    loss_ref[:, :] = loss_ref[:, :] + jnp.sum(m)
    used = jnp.max(mask.astype(jnp.float32), axis=1)
    util_ref[:, :] = util_ref[:, :] + jnp.sum(used)


def _sc_gather(table, idx, n_rows, d):
    info = plsc.get_sparse_core_info()
    nc, ns = info.num_cores, info.num_subcores
    nw = nc * ns
    per_w = n_rows // nw
    mesh = plsc.VectorSubcoreMesh(core_axis_name="c", subcore_axis_name="s")

    @functools.partial(
        pl.kernel, mesh=mesh,
        out_type=jax.ShapeDtypeStruct((n_rows, d), jnp.float32),
        scratch_types=[
            pltpu.VMEM((per_w,), jnp.int32),
            pltpu.VMEM((per_w, d), jnp.float32),
            pltpu.SemaphoreType.DMA,
        ],
    )
    def gather_kernel(table_hbm, idx_hbm, out_hbm, idx_v, rows_v, sem):
        wid = lax.axis_index("s") * nc + lax.axis_index("c")
        base = wid * per_w
        pltpu.sync_copy(idx_hbm.at[pl.ds(base, per_w)], idx_v)
        pltpu.async_copy(table_hbm.at[idx_v], rows_v, sem).wait()
        pltpu.sync_copy(rows_v, out_hbm.at[pl.ds(base, per_w)])

    return gather_kernel(table, idx)


def kernel(z_e, codebooks):
    B, T, D = z_e.shape
    K = codebooks.shape[1]
    ze_t = jnp.transpose(z_e, (1, 0, 2))
    zn_t = jnp.sum(ze_t ** 2, axis=-1).reshape(T, 1, B)
    tok_t, loss, util = pl.pallas_call(
        _pq_step,
        grid=(T // _TB,),
        in_specs=[
            pl.BlockSpec((_TB, 1, B), lambda t: (t, 0, 0)),
            pl.BlockSpec((_TB, B, D), lambda t: (t, 0, 0)),
            pl.BlockSpec((_TB, K, D), lambda t: (t, 0, 0)),
        ],
        out_specs=[
            pl.BlockSpec((_TB, 1, B), lambda t: (t, 0, 0)),
            pl.BlockSpec((1, 1), lambda t: (0, 0)),
            pl.BlockSpec((1, 1), lambda t: (0, 0)),
        ],
        out_shape=[
            jax.ShapeDtypeStruct((T, 1, B), jnp.int32),
            jax.ShapeDtypeStruct((1, 1), jnp.float32),
            jax.ShapeDtypeStruct((1, 1), jnp.float32),
        ],
    )(zn_t, ze_t, codebooks)
    tokens = jnp.transpose(tok_t[:, 0, :], (1, 0))

    flat_idx = (tokens + jnp.arange(T, dtype=jnp.int32)[None, :] * K).reshape(-1)
    wide = _sc_gather(codebooks.reshape(T * K // 2, 2 * D),
                      jnp.right_shift(flat_idx, 1), B * T, 2 * D)
    zq = jnp.where((flat_idx & 1)[:, None] == 1, wide[:, D:], wide[:, :D])
    zq = zq.reshape(B, T, D)

    z_q_st = z_e + (zq - z_e)
    vq_loss = _BETA * (loss[0, 0] / jnp.float32(T * B * D))
    utilization = util[0, 0] / jnp.float32(T * K)
    return z_q_st, tokens, vq_loss, utilization

# --- scband reference (transcript-rebuilt; emitter-appended) ---
"""Pipeline reference for scband-product-quantizer-17540646437247 (READ-ONLY COPY).

The authoritative reference and input builder live on the scoring server;
editing this copy changes nothing except your own understanding.
"""

import jax, jax.numpy as jnp
import numpy as np

T = 256
K = 512
D = 64
B = 64
BETA = 0.25

def setup_inputs(seed: int = 0) -> dict:
    key = jax.random.key(seed)
    k1, k2 = jax.random.split(key)
    z_e = jax.random.normal(k1, (B, T, D), dtype=jnp.float32)
    codebooks = jax.random.uniform(k2, (T, K, D), dtype=jnp.float32, minval=-1.0 / K, maxval=1.0 / K)
    return {"z_e": z_e, "codebooks": codebooks}

def reference(z_e, codebooks):
    Bv, Tv, Dv = z_e.shape
    Kv = codebooks.shape[1]
    # [T, B, D] layout so each slot quantizes against its own codebook
    ze_t = jnp.transpose(z_e, (1, 0, 2))
    # squared L2 distances per slot: ||z||^2 - 2 z.w^T + ||w||^2 -> [T, B, K]
    dist = (
        jnp.sum(ze_t ** 2, axis=-1, keepdims=True)
        - 2.0 * jnp.einsum('tbd,tkd->tbk', ze_t, codebooks)
        + jnp.sum(codebooks ** 2, axis=-1)[:, None, :]
    )
    k_idx = jnp.argmin(dist, axis=-1)  # [T, B]
    # gather nearest codes per slot: [T, B, D]
    z_q = codebooks[jnp.arange(Tv)[:, None], k_idx]
    # straight-through estimator
    z_q_st = ze_t + jax.lax.stop_gradient(z_q - ze_t)
    # use_ema=True path: only commitment term, averaged over slots
    commitment_per_slot = jnp.mean((ze_t - jax.lax.stop_gradient(z_q)) ** 2, axis=(1, 2))
    vq_loss = BETA * jnp.mean(commitment_per_slot)
    # utilization: number of distinct codes used per slot, summed, / (T*K)
    unique_counts = jax.vmap(lambda kk: jnp.sum(jnp.bincount(kk, length=Kv) > 0))(k_idx)
    utilization = jnp.sum(unique_counts) / (Tv * Kv)
    z_q_st_out = jnp.transpose(z_q_st, (1, 0, 2))  # [B, T, D]
    tokens = jnp.transpose(k_idx, (1, 0))          # [B, T]
    return (z_q_st_out, tokens, vq_loss, utilization)

if __name__ == "__main__":
    import jax
    _d = setup_inputs()
    print(jax.jit(kernel)(*tuple(_d.values())))

</pallas_src>

<mosaic_0001>
#map = affine_map<(d0, d1) -> (0, 0)>
#map1 = affine_map<(d0, d1) -> (0)>
module attributes {stable_mosaic.version = 14 : i64} {
  func.func @gather_kernel(%arg0: i32, %arg1: i32, %arg2: memref<65536x128xf32, #tpu.memory_space<hbm>>, %arg3: memref<16384xi32, #tpu.memory_space<hbm>>, %arg4: memref<16384x128xf32, #tpu.memory_space<hbm>>, %arg5: memref<512xi32, #tpu.memory_space<vmem>>, %arg6: memref<512x128xf32, #tpu.memory_space<vmem>>, %arg7: memref<!tpu.dma_semaphore, #tpu.memory_space<semaphore_mem>>) attributes {dimension_semantics = [#tpu.dimension_semantics<core_parallel>, #tpu.dimension_semantics<subcore_parallel>], iteration_bounds = array<i64: 2, 16>, scalar_prefetch = 0 : i64, scratch_operands = 3 : i64, tpu.core_type = #tpu.core_type<sc_vector_subcore>, window_params = [{transform_indices = #map}, {transform_indices = #map1}, {transform_indices = #map}]} {
    %mul3A = arith.constant 2 : i32
    %mul3A_0 = arith.muli %arg1, %mul3A : i32
    %add3A = arith.addi %mul3A_0, %arg0 : i32
    %mul3A_1 = arith.constant 512 : i32
    %mul3A_2 = arith.muli %add3A, %mul3A_1 : i32
    "tpu.region"() ({
      %run_scoped3A = tpu.sem_alloc : memref<!tpu.dma_semaphore, #tpu.memory_space<semaphore_mem>>
      %dma_start3A_7 = tpu.memref_slice %arg3[%mul3A_2] : memref<16384xi32, #tpu.memory_space<hbm>> -> memref<512xi32, #tpu.memory_space<hbm>>
      %dma_start3A_8 = tpu.memref_slice %arg3[%mul3A_2] : memref<16384xi32, #tpu.memory_space<hbm>> -> memref<512xi32, #tpu.memory_space<hbm>>
      tpu.enqueue_dma source(%dma_start3A_8 : memref<512xi32, #tpu.memory_space<hbm>>) target(%arg5 : memref<512xi32, #tpu.memory_space<vmem>>) target_semaphore(%run_scoped3A : memref<!tpu.dma_semaphore, #tpu.memory_space<semaphore_mem>>)
      %dma_wait3A_9 = tpu.memref_slice %arg3[%mul3A_2] : memref<16384xi32, #tpu.memory_space<hbm>> -> memref<512xi32, #tpu.memory_space<hbm>>
      %dma_wait3A_10 = tpu.memref_slice %arg3[%mul3A_2] : memref<16384xi32, #tpu.memory_space<hbm>> -> memref<512xi32, #tpu.memory_space<hbm>>
      tpu.wait_dma2 semaphore(%run_scoped3A : memref<!tpu.dma_semaphore, #tpu.memory_space<semaphore_mem>>) src(%dma_wait3A_10 : memref<512xi32, #tpu.memory_space<hbm>>) dst(%arg5 : memref<512xi32, #tpu.memory_space<vmem>>)
      tpu.yield
    }) : () -> ()
    %dma_start3A = arith.constant 0 : i32
    %dma_start3A_3 = arith.constant 0 : i32
    %dma_start3A_4 = tpu.memref_slice %arg2[%dma_start3A, %dma_start3A_3] : memref<65536x128xf32, #tpu.memory_space<hbm>> -> memref<65536x128xf32, #tpu.memory_space<hbm>>
    tpu.enqueue_indirect_dma source(%dma_start3A_4 : memref<65536x128xf32, #tpu.memory_space<hbm>>) target(%arg6 : memref<512x128xf32, #tpu.memory_space<vmem>>) offsets(%arg5 : memref<512xi32, #tpu.memory_space<vmem>>) semaphore(%arg7 : memref<!tpu.dma_semaphore, #tpu.memory_space<semaphore_mem>>)
    %dma_wait3A = arith.constant 0 : i32
    %dma_wait3A_5 = arith.constant 0 : i32
    %dma_wait3A_6 = tpu.memref_slice %arg2[%dma_wait3A, %dma_wait3A_5] : memref<65536x128xf32, #tpu.memory_space<hbm>> -> memref<65536x128xf32, #tpu.memory_space<hbm>>
    tpu.wait_indirect_dma semaphore(%arg7 : memref<!tpu.dma_semaphore, #tpu.memory_space<semaphore_mem>>) src(%dma_wait3A_6 : memref<65536x128xf32, #tpu.memory_space<hbm>>) dst(%arg6 : memref<512x128xf32, #tpu.memory_space<vmem>>)
    "tpu.region"() ({
      %run_scoped3A = tpu.sem_alloc : memref<!tpu.dma_semaphore, #tpu.memory_space<semaphore_mem>>
      %dma_start3A_7 = arith.constant 0 : i32
      %dma_start3A_8 = tpu.memref_slice %arg4[%mul3A_2, %dma_start3A_7] : memref<16384x128xf32, #tpu.memory_space<hbm>> -> memref<512x128xf32, #tpu.memory_space<hbm>>
      %dma_start3A_9 = arith.constant 0 : i32
      %dma_start3A_10 = tpu.memref_slice %arg4[%mul3A_2, %dma_start3A_9] : memref<16384x128xf32, #tpu.memory_space<hbm>> -> memref<512x128xf32, #tpu.memory_space<hbm>>
      tpu.enqueue_dma source(%arg6 : memref<512x128xf32, #tpu.memory_space<vmem>>) target(%dma_start3A_10 : memref<512x128xf32, #tpu.memory_space<hbm>>) target_semaphore(%run_scoped3A : memref<!tpu.dma_semaphore, #tpu.memory_space<semaphore_mem>>)
      %dma_wait3A_11 = arith.constant 0 : i32
      %dma_wait3A_12 = tpu.memref_slice %arg4[%mul3A_2, %dma_wait3A_11] : memref<16384x128xf32, #tpu.memory_space<hbm>> -> memref<512x128xf32, #tpu.memory_space<hbm>>
      %dma_wait3A_13 = arith.constant 0 : i32
      %dma_wait3A_14 = tpu.memref_slice %arg4[%mul3A_2, %dma_wait3A_13] : memref<16384x128xf32, #tpu.memory_space<hbm>> -> memref<512x128xf32, #tpu.memory_space<hbm>>
      tpu.wait_dma2 semaphore(%run_scoped3A : memref<!tpu.dma_semaphore, #tpu.memory_space<semaphore_mem>>) src(%arg6 : memref<512x128xf32, #tpu.memory_space<vmem>>) dst(%dma_wait3A_14 : memref<512x128xf32, #tpu.memory_space<hbm>>)
      tpu.yield
    }) : () -> ()
    return
  }
}

module attributes {stable_mosaic.version = 14 : i64} {
  func.func @_pq_step(%arg0: i32, %arg1: memref<32x1x64xf32, #tpu.memory_space<vmem>>, %arg2: memref<32x64x64xf32, #tpu.memory_space<vmem>>, %arg3: memref<32x512x64xf32, #tpu.memory_space<vmem>>, %arg4: memref<32x1x64xi32, #tpu.memory_space<vmem>>, %arg5: memref<1x1xf32, #tpu.memory_space<vmem>>, %arg6: memref<1x1xf32, #tpu.memory_space<vmem>>) attributes {dimension_semantics = [#tpu.dimension_semantics<arbitrary>], iteration_bounds = array<i64: 8>, scalar_prefetch = 0 : i64, scratch_operands = 0 : i64, tpu.core_type = #tpu.core_type<tc>, window_params = [{transform_indices = @transform_0, window_bounds = array<i64: 32, 1, 64>}, {transform_indices = @transform_1, window_bounds = array<i64: 32, 64, 64>}, {transform_indices = @transform_2, window_bounds = array<i64: 32, 512, 64>}, {transform_indices = @transform_3, window_bounds = array<i64: 32, 1, 64>}, {pipeline_mode = #tpu.pipeline_mode<synchronous>, transform_indices = @transform_4, window_bounds = array<i64: 1, 1>}, {pipeline_mode = #tpu.pipeline_mode<synchronous>, transform_indices = @transform_5, window_bounds = array<i64: 1, 1>}]} {
    %eq3A = arith.constant 0 : i32
    %eq3A_0 = arith.cmpi eq, %arg0, %eq3A : i32
    %convert_element_type3A = arith.extui %eq3A_0 : i1 to i32
    %cond3A = arith.constant 0 : i32
    %cond3A_1 = arith.cmpi ne, %convert_element_type3A, %cond3A : i32
    scf.if %cond3A_1 {
      %broadcast_in_dim3A_283 = arith.constant 0.000000e+00 : f32
      %broadcast_in_dim3A_284 = vector.broadcast %broadcast_in_dim3A_283 : f32 to vector<1x1xf32>
      %swap3A_285 = arith.constant 0 : index
      %swap3A_286 = arith.constant 0 : index
      %swap3A_287 = vector.load %arg5[%swap3A_285, %swap3A_286] : memref<1x1xf32, #tpu.memory_space<vmem>>, vector<1x1xf32>
      tpu.vector_store %arg5[%swap3A_285, %swap3A_286], %broadcast_in_dim3A_284 {strides = array<i32>} : memref<1x1xf32, #tpu.memory_space<vmem>>, vector<1x1xf32>,
      %broadcast_in_dim3A_288 = arith.constant 0.000000e+00 : f32
      %broadcast_in_dim3A_289 = vector.broadcast %broadcast_in_dim3A_288 : f32 to vector<1x1xf32>
      %swap3A_290 = arith.constant 0 : index
      %swap3A_291 = arith.constant 0 : index
      %swap3A_292 = vector.load %arg6[%swap3A_290, %swap3A_291] : memref<1x1xf32, #tpu.memory_space<vmem>>, vector<1x1xf32>
      tpu.vector_store %arg6[%swap3A_290, %swap3A_291], %broadcast_in_dim3A_289 {strides = array<i32>} : memref<1x1xf32, #tpu.memory_space<vmem>>, vector<1x1xf32>,
    } else {
    }
    %get3A = arith.constant 0 : index
    %get3A_2 = arith.constant 0 : index
    %get3A_3 = arith.constant 0 : index
    %get3A_4 = vector.load %arg2[%get3A, %get3A_2, %get3A_3] : memref<32x64x64xf32, #tpu.memory_space<vmem>>, vector<32x64x64xf32>
    %get3A_5 = arith.constant 0 : index
    %get3A_6 = arith.constant 0 : index
    %get3A_7 = arith.constant 0 : index
    %get3A_8 = vector.load %arg3[%get3A_5, %get3A_6, %get3A_7] : memref<32x512x64xf32, #tpu.memory_space<vmem>>, vector<32x512x64xf32>
    %get3A_9 = arith.constant 0 : index
    %get3A_10 = arith.constant 0 : index
    %get3A_11 = arith.constant 0 : index
    %get3A_12 = vector.load %arg1[%get3A_9, %get3A_10, %get3A_11] : memref<32x1x64xf32, #tpu.memory_space<vmem>>, vector<32x1x64xf32>
    %get3A_13 = vector.shape_cast %get3A_12 : vector<32x1x64xf32> to vector<32x64xf32>
    %slice3A = vector.extract_strided_slice %get3A_4 {offsets = [0, 0, 0], sizes = [1, 64, 64], strides = [1, 1, 1]} : vector<32x64x64xf32> to vector<1x64x64xf32>
    %squeeze3A = vector.shape_cast %slice3A : vector<1x64x64xf32> to vector<64x64xf32>
    %slice3A_14 = vector.extract_strided_slice %get3A_8 {offsets = [0, 0, 0], sizes = [1, 512, 64], strides = [1, 1, 1]} : vector<32x512x64xf32> to vector<1x512x64xf32>
    %squeeze3A_15 = vector.shape_cast %slice3A_14 : vector<1x512x64xf32> to vector<512x64xf32>
    %dot_general3A = arith.constant dense<0.000000e+00> : vector<64x512xf32>
    %dot_general3A_16 = tpu.matmul %squeeze3A, %squeeze3A_15, %dot_general3A {dimension_numbers = #tpu.dot_dimension_numbers<[1], [1], [0], [0], [0, 0, 1, 0], [], []>, transpose_lhs_hint = false} : vector<64x64xf32>, vector<512x64xf32>, vector<64x512xf32> -> vector<64x512xf32>
    %slice3A_17 = vector.extract_strided_slice %get3A_4 {offsets = [1, 0, 0], sizes = [1, 64, 64], strides = [1, 1, 1]} : vector<32x64x64xf32> to vector<1x64x64xf32>
    %squeeze3A_18 = vector.shape_cast %slice3A_17 : vector<1x64x64xf32> to vector<64x64xf32>
    %slice3A_19 = vector.extract_strided_slice %get3A_8 {offsets = [1, 0, 0], sizes = [1, 512, 64], strides = [1, 1, 1]} : vector<32x512x64xf32> to vector<1x512x64xf32>
    %squeeze3A_20 = vector.shape_cast %slice3A_19 : vector<1x512x64xf32> to vector<512x64xf32>
    %dot_general3A_21 = arith.constant dense<0.000000e+00> : vector<64x512xf32>
    %dot_general3A_22 = tpu.matmul %squeeze3A_18, %squeeze3A_20, %dot_general3A_21 {dimension_numbers = #tpu.dot_dimension_numbers<[1], [1], [0], [0], [0, 0, 1, 0], [], []>, transpose_lhs_hint = false} : vector<64x64xf32>, vector<512x64xf32>, vector<64x512xf32> -> vector<64x512xf32>
    %slice3A_23 = vector.extract_strided_slice %get3A_4 {offsets = [2, 0, 0], sizes = [1, 64, 64], strides = [1, 1, 1]} : vector<32x64x64xf32> to vector<1x64x64xf32>
    %squeeze3A_24 = vector.shape_cast %slice3A_23 : vector<1x64x64xf32> to vector<64x64xf32>
    %slice3A_25 = vector.extract_strided_slice %get3A_8 {offsets = [2, 0, 0], sizes = [1, 512, 64], strides = [1, 1, 1]} : vector<32x512x64xf32> to vector<1x512x64xf32>
    %squeeze3A_26 = vector.shape_cast %slice3A_25 : vector<1x512x64xf32> to vector<512x64xf32>
    %dot_general3A_27 = arith.constant dense<0.000000e+00> : vector<64x512xf32>
    %dot_general3A_28 = tpu.matmul %squeeze3A_24, %squeeze3A_26, %dot_general3A_27 {dimension_numbers = #tpu.dot_dimension_numbers<[1], [1], [0], [0], [0, 0, 1, 0], [], []>, transpose_lhs_hint = false} : vector<64x64xf32>, vector<512x64xf32>, vector<64x512xf32> -> vector<64x512xf32>
    %slice3A_29 = vector.extract_strided_slice %get3A_4 {offsets = [3, 0, 0], sizes = [1, 64, 64], strides = [1, 1, 1]} : vector<32x64x64xf32> to vector<1x64x64xf32>
    %squeeze3A_30 = vector.shape_cast %slice3A_29 : vector<1x64x64xf32> to vector<64x64xf32>
    %slice3A_31 = vector.extract_strided_slice %get3A_8 {offsets = [3, 0, 0], sizes = [1, 512, 64], strides = [1, 1, 1]} : vector<32x512x64xf32> to vector<1x512x64xf32>
    %squeeze3A_32 = vector.shape_cast %slice3A_31 : vector<1x512x64xf32> to vector<512x64xf32>
    %dot_general3A_33 = arith.constant dense<0.000000e+00> : vector<64x512xf32>
    %dot_general3A_34 = tpu.matmul %squeeze3A_30, %squeeze3A_32, %dot_general3A_33 {dimension_numbers = #tpu.dot_dimension_numbers<[1], [1], [0], [0], [0, 0, 1, 0], [], []>, transpose_lhs_hint = false} : vector<64x64xf32>, vector<512x64xf32>, vector<64x512xf32> -> vector<64x512xf32>
    %slice3A_35 = vector.extract_strided_slice %get3A_4 {offsets = [4, 0, 0], sizes = [1, 64, 64], strides = [1, 1, 1]} : vector<32x64x64xf32> to vector<1x64x64xf32>
    %squeeze3A_36 = vector.shape_cast %slice3A_35 : vector<1x64x64xf32> to vector<64x64xf32>
    %slice3A_37 = vector.extract_strided_slice %get3A_8 {offsets = [4, 0, 0], sizes = [1, 512, 64], strides = [1, 1, 1]} : vector<32x512x64xf32> to vector<1x512x64xf32>
    %squeeze3A_38 = vector.shape_cast %slice3A_37 : vector<1x512x64xf32> to vector<512x64xf32>
    %dot_general3A_39 = arith.constant dense<0.000000e+00> : vector<64x512xf32>
    %dot_general3A_40 = tpu.matmul %squeeze3A_36, %squeeze3A_38, %dot_general3A_39 {dimension_numbers = #tpu.dot_dimension_numbers<[1], [1], [0], [0], [0, 0, 1, 0], [], []>, transpose_lhs_hint = false} : vector<64x64xf32>, vector<512x64xf32>, vector<64x512xf32> -> vector<64x512xf32>
    %slice3A_41 = vector.extract_strided_slice %get3A_4 {offsets = [5, 0, 0], sizes = [1, 64, 64], strides = [1, 1, 1]} : vector<32x64x64xf32> to vector<1x64x64xf32>
    %squeeze3A_42 = vector.shape_cast %slice3A_41 : vector<1x64x64xf32> to vector<64x64xf32>
    %slice3A_43 = vector.extract_strided_slice %get3A_8 {offsets = [5, 0, 0], sizes = [1, 512, 64], strides = [1, 1, 1]} : vector<32x512x64xf32> to vector<1x512x64xf32>
    %squeeze3A_44 = vector.shape_cast %slice3A_43 : vector<1x512x64xf32> to vector<512x64xf32>
    %dot_general3A_45 = arith.constant dense<0.000000e+00> : vector<64x512xf32>
    %dot_general3A_46 = tpu.matmul %squeeze3A_42, %squeeze3A_44, %dot_general3A_45 {dimension_numbers = #tpu.dot_dimension_numbers<[1], [1], [0], [0], [0, 0, 1, 0], [], []>, transpose_lhs_hint = false} : vector<64x64xf32>, vector<512x64xf32>, vector<64x512xf32> -> vector<64x512xf32>
    %slice3A_47 = vector.extract_strided_slice %get3A_4 {offsets = [6, 0, 0], sizes = [1, 64, 64], strides = [1, 1, 1]} : vector<32x64x64xf32> to vector<1x64x64xf32>
    %squeeze3A_48 = vector.shape_cast %slice3A_47 : vector<1x64x64xf32> to vector<64x64xf32>
    %slice3A_49 = vector.extract_strided_slice %get3A_8 {offsets = [6, 0, 0], sizes = [1, 512, 64], strides = [1, 1, 1]} : vector<32x512x64xf32> to vector<1x512x64xf32>
    %squeeze3A_50 = vector.shape_cast %slice3A_49 : vector<1x512x64xf32> to vector<512x64xf32>
    %dot_general3A_51 = arith.constant dense<0.000000e+00> : vector<64x512xf32>
    %dot_general3A_52 = tpu.matmul %squeeze3A_48, %squeeze3A_50, %dot_general3A_51 {dimension_numbers = #tpu.dot_dimension_numbers<[1], [1], [0], [0], [0, 0, 1, 0], [], []>, transpose_lhs_hint = false} : vector<64x64xf32>, vector<512x64xf32>, vector<64x512xf32> -> vector<64x512xf32>
    %slice3A_53 = vector.extract_strided_slice %get3A_4 {offsets = [7, 0, 0], sizes = [1, 64, 64], strides = [1, 1, 1]} : vector<32x64x64xf32> to vector<1x64x64xf32>
    %squeeze3A_54 = vector.shape_cast %slice3A_53 : vector<1x64x64xf32> to vector<64x64xf32>
    %slice3A_55 = vector.extract_strided_slice %get3A_8 {offsets = [7, 0, 0], sizes = [1, 512, 64], strides = [1, 1, 1]} : vector<32x512x64xf32> to vector<1x512x64xf32>
    %squeeze3A_56 = vector.shape_cast %slice3A_55 : vector<1x512x64xf32> to vector<512x64xf32>
    %dot_general3A_57 = arith.constant dense<0.000000e+00> : vector<64x512xf32>
    %dot_general3A_58 = tpu.matmul %squeeze3A_54, %squeeze3A_56, %dot_general3A_57 {dimension_numbers = #tpu.dot_dimension_numbers<[1], [1], [0], [0], [0, 0, 1, 0], [], []>, transpose_lhs_hint = false} : vector<64x64xf32>, vector<512x64xf32>, vector<64x512xf32> -> vector<64x512xf32>
    %slice3A_59 = vector.extract_strided_slice %get3A_4 {offsets = [8, 0, 0], sizes = [1, 64, 64], strides = [1, 1, 1]} : vector<32x64x64xf32> to vector<1x64x64xf32>
    %squeeze3A_60 = vector.shape_cast %slice3A_59 : vector<1x64x64xf32> to vector<64x64xf32>
    %slice3A_61 = vector.extract_strided_slice %get3A_8 {offsets = [8, 0, 0], sizes = [1, 512, 64], strides = [1, 1, 1]} : vector<32x512x64xf32> to vector<1x512x64xf32>
    %squeeze3A_62 = vector.shape_cast %slice3A_61 : vector<1x512x64xf32> to vector<512x64xf32>
    %dot_general3A_63 = arith.constant dense<0.000000e+00> : vector<64x512xf32>
    %dot_general3A_64 = tpu.matmul %squeeze3A_60, %squeeze3A_62, %dot_general3A_63 {dimension_numbers = #tpu.dot_dimension_numbers<[1], [1], [0], [0], [0, 0, 1, 0], [], []>, transpose_lhs_hint = false} : vector<64x64xf32>, vector<512x64xf32>, vector<64x512xf32> -> vector<64x512xf32>
    %slice3A_65 = vector.extract_strided_slice %get3A_4 {offsets = [9, 0, 0], sizes = [1, 64, 64], strides = [1, 1, 1]} : vector<32x64x64xf32> to vector<1x64x64xf32>
    %squeeze3A_66 = vector.shape_cast %slice3A_65 : vector<1x64x64xf32> to vector<64x64xf32>
    %slice3A_67 = vector.extract_strided_slice %get3A_8 {offsets = [9, 0, 0], sizes = [1, 512, 64], strides = [1, 1, 1]} : vector<32x512x64xf32> to vector<1x512x64xf32>
    %squeeze3A_68 = vector.shape_cast %slice3A_67 : vector<1x512x64xf32> to vector<512x64xf32>
    %dot_general3A_69 = arith.constant dense<0.000000e+00> : vector<64x512xf32>
    %dot_general3A_70 = tpu.matmul %squeeze3A_66, %squeeze3A_68, %dot_general3A_69 {dimension_numbers = #tpu.dot_dimension_numbers<[1], [1], [0], [0], [0, 0, 1, 0], [], []>, transpose_lhs_hint = false} : vector<64x64xf32>, vector<512x64xf32>, vector<64x512xf32> -> vector<64x512xf32>
    %slice3A_71 = vector.extract_strided_slice %get3A_4 {offsets = [10, 0, 0], sizes = [1, 64, 64], strides = [1, 1, 1]} : vector<32x64x64xf32> to vector<1x64x64xf32>
    %squeeze3A_72 = vector.shape_cast %slice3A_71 : vector<1x64x64xf32> to vector<64x64xf32>
    %slice3A_73 = vector.extract_strided_slice %get3A_8 {offsets = [10, 0, 0], sizes = [1, 512, 64], strides = [1, 1, 1]} : vector<32x512x64xf32> to vector<1x512x64xf32>
    %squeeze3A_74 = vector.shape_cast %slice3A_73 : vector<1x512x64xf32> to vector<512x64xf32>
    %dot_general3A_75 = arith.constant dense<0.000000e+00> : vector<64x512xf32>
    %dot_general3A_76 = tpu.matmul %squeeze3A_72, %squeeze3A_74, %dot_general3A_75 {dimension_numbers = #tpu.dot_dimension_numbers<[1], [1], [0], [0], [0, 0, 1, 0], [], []>, transpose_lhs_hint = false} : vector<64x64xf32>, vector<512x64xf32>, vector<64x512xf32> -> vector<64x512xf32>
    %slice3A_77 = vector.extract_strided_slice %get3A_4 {offsets = [11, 0, 0], sizes = [1, 64, 64], strides = [1, 1, 1]} : vector<32x64x64xf32> to vector<1x64x64xf32>
    %squeeze3A_78 = vector.shape_cast %slice3A_77 : vector<1x64x64xf32> to vector<64x64xf32>
    %slice3A_79 = vector.extract_strided_slice %get3A_8 {offsets = [11, 0, 0], sizes = [1, 512, 64], strides = [1, 1, 1]} : vector<32x512x64xf32> to vector<1x512x64xf32>
    %squeeze3A_80 = vector.shape_cast %slice3A_79 : vector<1x512x64xf32> to vector<512x64xf32>
    %dot_general3A_81 = arith.constant dense<0.000000e+00> : vector<64x512xf32>
    %dot_general3A_82 = tpu.matmul %squeeze3A_78, %squeeze3A_80, %dot_general3A_81 {dimension_numbers = #tpu.dot_dimension_numbers<[1], [1], [0], [0], [0, 0, 1, 0], [], []>, transpose_lhs_hint = false} : vector<64x64xf32>, vector<512x64xf32>, vector<64x512xf32> -> vector<64x512xf32>
    %slice3A_83 = vector.extract_strided_slice %get3A_4 {offsets = [12, 0, 0], sizes = [1, 64, 64], strides = [1, 1, 1]} : vector<32x64x64xf32> to vector<1x64x64xf32>
    %squeeze3A_84 = vector.shape_cast %slice3A_83 : vector<1x64x64xf32> to vector<64x64xf32>
    %slice3A_85 = vector.extract_strided_slice %get3A_8 {offsets = [12, 0, 0], sizes = [1, 512, 64], strides = [1, 1, 1]} : vector<32x512x64xf32> to vector<1x512x64xf32>
    %squeeze3A_86 = vector.shape_cast %slice3A_85 : vector<1x512x64xf32> to vector<512x64xf32>
    %dot_general3A_87 = arith.constant dense<0.000000e+00> : vector<64x512xf32>
    %dot_general3A_88 = tpu.matmul %squeeze3A_84, %squeeze3A_86, %dot_general3A_87 {dimension_numbers = #tpu.dot_dimension_numbers<[1], [1], [0], [0], [0, 0, 1, 0], [], []>, transpose_lhs_hint = false} : vector<64x64xf32>, vector<512x64xf32>, vector<64x512xf32> -> vector<64x512xf32>
    %slice3A_89 = vector.extract_strided_slice %get3A_4 {offsets = [13, 0, 0], sizes = [1, 64, 64], strides = [1, 1, 1]} : vector<32x64x64xf32> to vector<1x64x64xf32>
    %squeeze3A_90 = vector.shape_cast %slice3A_89 : vector<1x64x64xf32> to vector<64x64xf32>
    %slice3A_91 = vector.extract_strided_slice %get3A_8 {offsets = [13, 0, 0], sizes = [1, 512, 64], strides = [1, 1, 1]} : vector<32x512x64xf32> to vector<1x512x64xf32>
    %squeeze3A_92 = vector.shape_cast %slice3A_91 : vector<1x512x64xf32> to vector<512x64xf32>
    %dot_general3A_93 = arith.constant dense<0.000000e+00> : vector<64x512xf32>
    %dot_general3A_94 = tpu.matmul %squeeze3A_90, %squeeze3A_92, %dot_general3A_93 {dimension_numbers = #tpu.dot_dimension_numbers<[1], [1], [0], [0], [0, 0, 1, 0], [], []>, transpose_lhs_hint = false} : vector<64x64xf32>, vector<512x64xf32>, vector<64x512xf32> -> vector<64x512xf32>
    %slice3A_95 = vector.extract_strided_slice %get3A_4 {offsets = [14, 0, 0], sizes = [1, 64, 64], strides = [1, 1, 1]} : vector<32x64x64xf32> to vector<1x64x64xf32>
    %squeeze3A_96 = vector.shape_cast %slice3A_95 : vector<1x64x64xf32> to vector<64x64xf32>
    %slice3A_97 = vector.extract_strided_slice %get3A_8 {offsets = [14, 0, 0], sizes = [1, 512, 64], strides = [1, 1, 1]} : vector<32x512x64xf32> to vector<1x512x64xf32>
    %squeeze3A_98 = vector.shape_cast %slice3A_97 : vector<1x512x64xf32> to vector<512x64xf32>
    %dot_general3A_99 = arith.constant dense<0.000000e+00> : vector<64x512xf32>
    %dot_general3A_100 = tpu.matmul %squeeze3A_96, %squeeze3A_98, %dot_general3A_99 {dimension_numbers = #tpu.dot_dimension_numbers<[1], [1], [0], [0], [0, 0, 1, 0], [], []>, transpose_lhs_hint = false} : vector<64x64xf32>, vector<512x64xf32>, vector<64x512xf32> -> vector<64x512xf32>
    %slice3A_101 = vector.extract_strided_slice %get3A_4 {offsets = [15, 0, 0], sizes = [1, 64, 64], strides = [1, 1, 1]} : vector<32x64x64xf32> to vector<1x64x64xf32>
    %squeeze3A_102 = vector.shape_cast %slice3A_101 : vector<1x64x64xf32> to vector<64x64xf32>
    %slice3A_103 = vector.extract_strided_slice %get3A_8 {offsets = [15, 0, 0], sizes = [1, 512, 64], strides = [1, 1, 1]} : vector<32x512x64xf32> to vector<1x512x64xf32>
    %squeeze3A_104 = vector.shape_cast %slice3A_103 : vector<1x512x64xf32> to vector<512x64xf32>
    %dot_general3A_105 = arith.constant dense<0.000000e+00> : vector<64x512xf32>
    %dot_general3A_106 = tpu.matmul %squeeze3A_102, %squeeze3A_104, %dot_general3A_105 {dimension_numbers = #tpu.dot_dimension_numbers<[1], [1], [0], [0], [0, 0, 1, 0], [], []>, transpose_lhs_hint = false} : vector<64x64xf32>, vector<512x64xf32>, vector<64x512xf32> -> vector<64x512xf32>
    %slice3A_107 = vector.extract_strided_slice %get3A_4 {offsets = [16, 0, 0], sizes = [1, 64, 64], strides = [1, 1, 1]} : vector<32x64x64xf32> to vector<1x64x64xf32>
    %squeeze3A_108 = vector.shape_cast %slice3A_107 : vector<1x64x64xf32> to vector<64x64xf32>
    %slice3A_109 = vector.extract_strided_slice %get3A_8 {offsets = [16, 0, 0], sizes = [1, 512, 64], strides = [1, 1, 1]} : vector<32x512x64xf32> to vector<1x512x64xf32>
    %squeeze3A_110 = vector.shape_cast %slice3A_109 : vector<1x512x64xf32> to vector<512x64xf32>
    %dot_general3A_111 = arith.constant dense<0.000000e+00> : vector<64x512xf32>
    %dot_general3A_112 = tpu.matmul %squeeze3A_108, %squeeze3A_110, %dot_general3A_111 {dimension_numbers = #tpu.dot_dimension_numbers<[1], [1], [0], [0], [0, 0, 1, 0], [], []>, transpose_lhs_hint = false} : vector<64x64xf32>, vector<512x64xf32>, vector<64x512xf32> -> vector<64x512xf32>
    %slice3A_113 = vector.extract_strided_slice %get3A_4 {offsets = [17, 0, 0], sizes = [1, 64, 64], strides = [1, 1, 1]} : vector<32x64x64xf32> to vector<1x64x64xf32>
    %squeeze3A_114 = vector.shape_cast %slice3A_113 : vector<1x64x64xf32> to vector<64x64xf32>
    %slice3A_115 = vector.extract_strided_slice %get3A_8 {offsets = [17, 0, 0], sizes = [1, 512, 64], strides = [1, 1, 1]} : vector<32x512x64xf32> to vector<1x512x64xf32>
    %squeeze3A_116 = vector.shape_cast %slice3A_115 : vector<1x512x64xf32> to vector<512x64xf32>
    %dot_general3A_117 = arith.constant dense<0.000000e+00> : vector<64x512xf32>
    %dot_general3A_118 = tpu.matmul %squeeze3A_114, %squeeze3A_116, %dot_general3A_117 {dimension_numbers = #tpu.dot_dimension_numbers<[1], [1], [0], [0], [0, 0, 1, 0], [], []>, transpose_lhs_hint = false} : vector<64x64xf32>, vector<512x64xf32>, vector<64x512xf32> -> vector<64x512xf32>
    %slice3A_119 = vector.extract_strided_slice %get3A_4 {offsets = [18, 0, 0], sizes = [1, 64, 64], strides = [1, 1, 1]} : vector<32x64x64xf32> to vector<1x64x64xf32>
    %squeeze3A_120 = vector.shape_cast %slice3A_119 : vector<1x64x64xf32> to vector<64x64xf32>
    %slice3A_121 = vector.extract_strided_slice %get3A_8 {offsets = [18, 0, 0], sizes = [1, 512, 64], strides = [1, 1, 1]} : vector<32x512x64xf32> to vector<1x512x64xf32>
    %squeeze3A_122 = vector.shape_cast %slice3A_121 : vector<1x512x64xf32> to vector<512x64xf32>
    %dot_general3A_123 = arith.constant dense<0.000000e+00> : vector<64x512xf32>
    %dot_general3A_124 = tpu.matmul %squeeze3A_120, %squeeze3A_122, %dot_general3A_123 {dimension_numbers = #tpu.dot_dimension_numbers<[1], [1], [0], [0], [0, 0, 1, 0], [], []>, transpose_lhs_hint = false} : vector<64x64xf32>, vector<512x64xf32>, vector<64x512xf32> -> vector<64x512xf32>
    %slice3A_125 = vector.extract_strided_slice %get3A_4 {offsets = [19, 0, 0], sizes = [1, 64, 64], strides = [1, 1, 1]} : vector<32x64x64xf32> to vector<1x64x64xf32>
    %squeeze3A_126 = vector.shape_cast %slice3A_125 : vector<1x64x64xf32> to vector<64x64xf32>
    %slice3A_127 = vector.extract_strided_slice %get3A_8 {offsets = [19, 0, 0], sizes = [1, 512, 64], strides = [1, 1, 1]} : vector<32x512x64xf32> to vector<1x512x64xf32>
    %squeeze3A_128 = vector.shape_cast %slice3A_127 : vector<1x512x64xf32> to vector<512x64xf32>
    %dot_general3A_129 = arith.constant dense<0.000000e+00> : vector<64x512xf32>
    %dot_general3A_130 = tpu.matmul %squeeze3A_126, %squeeze3A_128, %dot_general3A_129 {dimension_numbers = #tpu.dot_dimension_numbers<[1], [1], [0], [0], [0, 0, 1, 0], [], []>, transpose_lhs_hint = false} : vector<64x64xf32>, vector<512x64xf32>, vector<64x512xf32> -> vector<64x512xf32>
    %slice3A_131 = vector.extract_strided_slice %get3A_4 {offsets = [20, 0, 0], sizes = [1, 64, 64], strides = [1, 1, 1]} : vector<32x64x64xf32> to vector<1x64x64xf32>
    %squeeze3A_132 = vector.shape_cast %slice3A_131 : vector<1x64x64xf32> to vector<64x64xf32>
    %slice3A_133 = vector.extract_strided_slice %get3A_8 {offsets = [20, 0, 0], sizes = [1, 512, 64], strides = [1, 1, 1]} : vector<32x512x64xf32> to vector<1x512x64xf32>
    %squeeze3A_134 = vector.shape_cast %slice3A_133 : vector<1x512x64xf32> to vector<512x64xf32>
    %dot_general3A_135 = arith.constant dense<0.000000e+00> : vector<64x512xf32>
    %dot_general3A_136 = tpu.matmul %squeeze3A_132, %squeeze3A_134, %dot_general3A_135 {dimension_numbers = #tpu.dot_dimension_numbers<[1], [1], [0], [0], [0, 0, 1, 0], [], []>, transpose_lhs_hint = false} : vector<64x64xf32>, vector<512x64xf32>, vector<64x512xf32> -> vector<64x512xf32>
    %slice3A_137 = vector.extract_strided_slice %get3A_4 {offsets = [21, 0, 0], sizes = [1, 64, 64], strides = [1, 1, 1]} : vector<32x64x64xf32> to vector<1x64x64xf32>
    %squeeze3A_138 = vector.shape_cast %slice3A_137 : vector<1x64x64xf32> to vector<64x64xf32>
    %slice3A_139 = vector.extract_strided_slice %get3A_8 {offsets = [21, 0, 0], sizes = [1, 512, 64], strides = [1, 1, 1]} : vector<32x512x64xf32> to vector<1x512x64xf32>
    %squeeze3A_140 = vector.shape_cast %slice3A_139 : vector<1x512x64xf32> to vector<512x64xf32>
    %dot_general3A_141 = arith.constant dense<0.000000e+00> : vector<64x512xf32>
    %dot_general3A_142 = tpu.matmul %squeeze3A_138, %squeeze3A_140, %dot_general3A_141 {dimension_numbers = #tpu.dot_dimension_numbers<[1], [1], [0], [0], [0, 0, 1, 0], [], []>, transpose_lhs_hint = false} : vector<64x64xf32>, vector<512x64xf32>, vector<64x512xf32> -> vector<64x512xf32>
    %slice3A_143 = vector.extract_strided_slice %get3A_4 {offsets = [22, 0, 0], sizes = [1, 64, 64], strides = [1, 1, 1]} : vector<32x64x64xf32> to vector<1x64x64xf32>
    %squeeze3A_144 = vector.shape_cast %slice3A_143 : vector<1x64x64xf32> to vector<64x64xf32>
    %slice3A_145 = vector.extract_strided_slice %get3A_8 {offsets = [22, 0, 0], sizes = [1, 512, 64], strides = [1, 1, 1]} : vector<32x512x64xf32> to vector<1x512x64xf32>
    %squeeze3A_146 = vector.shape_cast %slice3A_145 : vector<1x512x64xf32> to vector<512x64xf32>
    %dot_general3A_147 = arith.constant dense<0.000000e+00> : vector<64x512xf32>
    %dot_general3A_148 = tpu.matmul %squeeze3A_144, %squeeze3A_146, %dot_general3A_147 {dimension_numbers = #tpu.dot_dimension_numbers<[1], [1], [0], [0], [0, 0, 1, 0], [], []>, transpose_lhs_hint = false} : vector<64x64xf32>, vector<512x64xf32>, vector<64x512xf32> -> vector<64x512xf32>
    %slice3A_149 = vector.extract_strided_slice %get3A_4 {offsets = [23, 0, 0], sizes = [1, 64, 64], strides = [1, 1, 1]} : vector<32x64x64xf32> to vector<1x64x64xf32>
    %squeeze3A_150 = vector.shape_cast %slice3A_149 : vector<1x64x64xf32> to vector<64x64xf32>
    %slice3A_151 = vector.extract_strided_slice %get3A_8 {offsets = [23, 0, 0], sizes = [1, 512, 64], strides = [1, 1, 1]} : vector<32x512x64xf32> to vector<1x512x64xf32>
    %squeeze3A_152 = vector.shape_cast %slice3A_151 : vector<1x512x64xf32> to vector<512x64xf32>
    %dot_general3A_153 = arith.constant dense<0.000000e+00> : vector<64x512xf32>
    %dot_general3A_154 = tpu.matmul %squeeze3A_150, %squeeze3A_152, %dot_general3A_153 {dimension_numbers = #tpu.dot_dimension_numbers<[1], [1], [0], [0], [0, 0, 1, 0], [], []>, transpose_lhs_hint = false} : vector<64x64xf32>, vector<512x64xf32>, vector<64x512xf32> -> vector<64x512xf32>
    %slice3A_155 = vector.extract_strided_slice %get3A_4 {offsets = [24, 0, 0], sizes = [1, 64, 64], strides = [1, 1, 1]} : vector<32x64x64xf32> to vector<1x64x64xf32>
    %squeeze3A_156 = vector.shape_cast %slice3A_155 : vector<1x64x64xf32> to vector<64x64xf32>
    %slice3A_157 = vector.extract_strided_slice %get3A_8 {offsets = [24, 0, 0], sizes = [1, 512, 64], strides = [1, 1, 1]} : vector<32x512x64xf32> to vector<1x512x64xf32>
    %squeeze3A_158 = vector.shape_cast %slice3A_157 : vector<1x512x64xf32> to vector<512x64xf32>
    %dot_general3A_159 = arith.constant dense<0.000000e+00> : vector<64x512xf32>
    %dot_general3A_160 = tpu.matmul %squeeze3A_156, %squeeze3A_158, %dot_general3A_159 {dimension_numbers = #tpu.dot_dimension_numbers<[1], [1], [0], [0], [0, 0, 1, 0], [], []>, transpose_lhs_hint = false} : vector<64x64xf32>, vector<512x64xf32>, vector<64x512xf32> -> vector<64x512xf32>
    %slice3A_161 = vector.extract_strided_slice %get3A_4 {offsets = [25, 0, 0], sizes = [1, 64, 64], strides = [1, 1, 1]} : vector<32x64x64xf32> to vector<1x64x64xf32>
    %squeeze3A_162 = vector.shape_cast %slice3A_161 : vector<1x64x64xf32> to vector<64x64xf32>
    %slice3A_163 = vector.extract_strided_slice %get3A_8 {offsets = [25, 0, 0], sizes = [1, 512, 64], strides = [1, 1, 1]} : vector<32x512x64xf32> to vector<1x512x64xf32>
    %squeeze3A_164 = vector.shape_cast %slice3A_163 : vector<1x512x64xf32> to vector<512x64xf32>
    %dot_general3A_165 = arith.constant dense<0.000000e+00> : vector<64x512xf32>
    %dot_general3A_166 = tpu.matmul %squeeze3A_162, %squeeze3A_164, %dot_general3A_165 {dimension_numbers = #tpu.dot_dimension_numbers<[1], [1], [0], [0], [0, 0, 1, 0], [], []>, transpose_lhs_hint = false} : vector<64x64xf32>, vector<512x64xf32>, vector<64x512xf32> -> vector<64x512xf32>
    %slice3A_167 = vector.extract_strided_slice %get3A_4 {offsets = [26, 0, 0], sizes = [1, 64, 64], strides = [1, 1, 1]} : vector<32x64x64xf32> to vector<1x64x64xf32>
    %squeeze3A_168 = vector.shape_cast %slice3A_167 : vector<1x64x64xf32> to vector<64x64xf32>
    %slice3A_169 = vector.extract_strided_slice %get3A_8 {offsets = [26, 0, 0], sizes = [1, 512, 64], strides = [1, 1, 1]} : vector<32x512x64xf32> to vector<1x512x64xf32>
    %squeeze3A_170 = vector.shape_cast %slice3A_169 : vector<1x512x64xf32> to vector<512x64xf32>
    %dot_general3A_171 = arith.constant dense<0.000000e+00> : vector<64x512xf32>
    %dot_general3A_172 = tpu.matmul %squeeze3A_168, %squeeze3A_170, %dot_general3A_171 {dimension_numbers = #tpu.dot_dimension_numbers<[1], [1], [0], [0], [0, 0, 1, 0], [], []>, transpose_lhs_hint = false} : vector<64x64xf32>, vector<512x64xf32>, vector<64x512xf32> -> vector<64x512xf32>
    %slice3A_173 = vector.extract_strided_slice %get3A_4 {offsets = [27, 0, 0], sizes = [1, 64, 64], strides = [1, 1, 1]} : vector<32x64x64xf32> to vector<1x64x64xf32>
    %squeeze3A_174 = vector.shape_cast %slice3A_173 : vector<1x64x64xf32> to vector<64x64xf32>
    %slice3A_175 = vector.extract_strided_slice %get3A_8 {offsets = [27, 0, 0], sizes = [1, 512, 64], strides = [1, 1, 1]} : vector<32x512x64xf32> to vector<1x512x64xf32>
    %squeeze3A_176 = vector.shape_cast %slice3A_175 : vector<1x512x64xf32> to vector<512x64xf32>
    %dot_general3A_177 = arith.constant dense<0.000000e+00> : vector<64x512xf32>
    %dot_general3A_178 = tpu.matmul %squeeze3A_174, %squeeze3A_176, %dot_general3A_177 {dimension_numbers = #tpu.dot_dimension_numbers<[1], [1], [0], [0], [0, 0, 1, 0], [], []>, transpose_lhs_hint = false} : vector<64x64xf32>, vector<512x64xf32>, vector<64x512xf32> -> vector<64x512xf32>
    %slice3A_179 = vector.extract_strided_slice %get3A_4 {offsets = [28, 0, 0], sizes = [1, 64, 64], strides = [1, 1, 1]} : vector<32x64x64xf32> to vector<1x64x64xf32>
    %squeeze3A_180 = vector.shape_cast %slice3A_179 : vector<1x64x64xf32> to vector<64x64xf32>
    %slice3A_181 = vector.extract_strided_slice %get3A_8 {offsets = [28, 0, 0], sizes = [1, 512, 64], strides = [1, 1, 1]} : vector<32x512x64xf32> to vector<1x512x64xf32>
    %squeeze3A_182 = vector.shape_cast %slice3A_181 : vector<1x512x64xf32> to vector<512x64xf32>
    %dot_general3A_183 = arith.constant dense<0.000000e+00> : vector<64x512xf32>
    %dot_general3A_184 = tpu.matmul %squeeze3A_180, %squeeze3A_182, %dot_general3A_183 {dimension_numbers = #tpu.dot_dimension_numbers<[1], [1], [0], [0], [0, 0, 1, 0], [], []>, transpose_lhs_hint = false} : vector<64x64xf32>, vector<512x64xf32>, vector<64x512xf32> -> vector<64x512xf32>
    %slice3A_185 = vector.extract_strided_slice %get3A_4 {offsets = [29, 0, 0], sizes = [1, 64, 64], strides = [1, 1, 1]} : vector<32x64x64xf32> to vector<1x64x64xf32>
    %squeeze3A_186 = vector.shape_cast %slice3A_185 : vector<1x64x64xf32> to vector<64x64xf32>
    %slice3A_187 = vector.extract_strided_slice %get3A_8 {offsets = [29, 0, 0], sizes = [1, 512, 64], strides = [1, 1, 1]} : vector<32x512x64xf32> to vector<1x512x64xf32>
    %squeeze3A_188 = vector.shape_cast %slice3A_187 : vector<1x512x64xf32> to vector<512x64xf32>
    %dot_general3A_189 = arith.constant dense<0.000000e+00> : vector<64x512xf32>
    %dot_general3A_190 = tpu.matmul %squeeze3A_186, %squeeze3A_188, %dot_general3A_189 {dimension_numbers = #tpu.dot_dimension_numbers<[1], [1], [0], [0], [0, 0, 1, 0], [], []>, transpose_lhs_hint = false} : vector<64x64xf32>, vector<512x64xf32>, vector<64x512xf32> -> vector<64x512xf32>
    %slice3A_191 = vector.extract_strided_slice %get3A_4 {offsets = [30, 0, 0], sizes = [1, 64, 64], strides = [1, 1, 1]} : vector<32x64x64xf32> to vector<1x64x64xf32>
    %squeeze3A_192 = vector.shape_cast %slice3A_191 : vector<1x64x64xf32> to vector<64x64xf32>
    %slice3A_193 = vector.extract_strided_slice %get3A_8 {offsets = [30, 0, 0], sizes = [1, 512, 64], strides = [1, 1, 1]} : vector<32x512x64xf32> to vector<1x512x64xf32>
    %squeeze3A_194 = vector.shape_cast %slice3A_193 : vector<1x512x64xf32> to vector<512x64xf32>
    %dot_general3A_195 = arith.constant dense<0.000000e+00> : vector<64x512xf32>
    %dot_general3A_196 = tpu.matmul %squeeze3A_192, %squeeze3A_194, %dot_general3A_195 {dimension_numbers = #tpu.dot_dimension_numbers<[1], [1], [0], [0], [0, 0, 1, 0], [], []>, transpose_lhs_hint = false} : vector<64x64xf32>, vector<512x64xf32>, vector<64x512xf32> -> vector<64x512xf32>
    %slice3A_197 = vector.extract_strided_slice %get3A_4 {offsets = [31, 0, 0], sizes = [1, 64, 64], strides = [1, 1, 1]} : vector<32x64x64xf32> to vector<1x64x64xf32>
    %squeeze3A_198 = vector.shape_cast %slice3A_197 : vector<1x64x64xf32> to vector<64x64xf32>
    %slice3A_199 = vector.extract_strided_slice %get3A_8 {offsets = [31, 0, 0], sizes = [1, 512, 64], strides = [1, 1, 1]} : vector<32x512x64xf32> to vector<1x512x64xf32>
    %squeeze3A_200 = vector.shape_cast %slice3A_199 : vector<1x512x64xf32> to vector<512x64xf32>
    %dot_general3A_201 = arith.constant dense<0.000000e+00> : vector<64x512xf32>
    %dot_general3A_202 = tpu.matmul %squeeze3A_198, %squeeze3A_200, %dot_general3A_201 {dimension_numbers = #tpu.dot_dimension_numbers<[1], [1], [0], [0], [0, 0, 1, 0], [], []>, transpose_lhs_hint = false} : vector<64x64xf32>, vector<512x64xf32>, vector<64x512xf32> -> vector<64x512xf32>
    %stack3A = vector.shape_cast %dot_general3A_16 : vector<64x512xf32> to vector<1x64x512xf32>
    %stack3A_203 = vector.shape_cast %dot_general3A_22 : vector<64x512xf32> to vector<1x64x512xf32>
    %stack3A_204 = vector.shape_cast %dot_general3A_28 : vector<64x512xf32> to vector<1x64x512xf32>
    %stack3A_205 = vector.shape_cast %dot_general3A_34 : vector<64x512xf32> to vector<1x64x512xf32>
    %stack3A_206 = vector.shape_cast %dot_general3A_40 : vector<64x512xf32> to vector<1x64x512xf32>
    %stack3A_207 = vector.shape_cast %dot_general3A_46 : vector<64x512xf32> to vector<1x64x512xf32>
    %stack3A_208 = vector.shape_cast %dot_general3A_52 : vector<64x512xf32> to vector<1x64x512xf32>
    %stack3A_209 = vector.shape_cast %dot_general3A_58 : vector<64x512xf32> to vector<1x64x512xf32>
    %stack3A_210 = vector.shape_cast %dot_general3A_64 : vector<64x512xf32> to vector<1x64x512xf32>
    %stack3A_211 = vector.shape_cast %dot_general3A_70 : vector<64x512xf32> to vector<1x64x512xf32>
    %stack3A_212 = vector.shape_cast %dot_general3A_76 : vector<64x512xf32> to vector<1x64x512xf32>
    %stack3A_213 = vector.shape_cast %dot_general3A_82 : vector<64x512xf32> to vector<1x64x512xf32>
    %stack3A_214 = vector.shape_cast %dot_general3A_88 : vector<64x512xf32> to vector<1x64x512xf32>
    %stack3A_215 = vector.shape_cast %dot_general3A_94 : vector<64x512xf32> to vector<1x64x512xf32>
    %stack3A_216 = vector.shape_cast %dot_general3A_100 : vector<64x512xf32> to vector<1x64x512xf32>
    %stack3A_217 = vector.shape_cast %dot_general3A_106 : vector<64x512xf32> to vector<1x64x512xf32>
    %stack3A_218 = vector.shape_cast %dot_general3A_112 : vector<64x512xf32> to vector<1x64x512xf32>
    %stack3A_219 = vector.shape_cast %dot_general3A_118 : vector<64x512xf32> to vector<1x64x512xf32>
    %stack3A_220 = vector.shape_cast %dot_general3A_124 : vector<64x512xf32> to vector<1x64x512xf32>
    %stack3A_221 = vector.shape_cast %dot_general3A_130 : vector<64x512xf32> to vector<1x64x512xf32>
    %stack3A_222 = vector.shape_cast %dot_general3A_136 : vector<64x512xf32> to vector<1x64x512xf32>
    %stack3A_223 = vector.shape_cast %dot_general3A_142 : vector<64x512xf32> to vector<1x64x512xf32>
    %stack3A_224 = vector.shape_cast %dot_general3A_148 : vector<64x512xf32> to vector<1x64x512xf32>
    %stack3A_225 = vector.shape_cast %dot_general3A_154 : vector<64x512xf32> to vector<1x64x512xf32>
    %stack3A_226 = vector.shape_cast %dot_general3A_160 : vector<64x512xf32> to vector<1x64x512xf32>
    %stack3A_227 = vector.shape_cast %dot_general3A_166 : vector<64x512xf32> to vector<1x64x512xf32>
    %stack3A_228 = vector.shape_cast %dot_general3A_172 : vector<64x512xf32> to vector<1x64x512xf32>
    %stack3A_229 = vector.shape_cast %dot_general3A_178 : vector<64x512xf32> to vector<1x64x512xf32>
    %stack3A_230 = vector.shape_cast %dot_general3A_184 : vector<64x512xf32> to vector<1x64x512xf32>
    %stack3A_231 = vector.shape_cast %dot_general3A_190 : vector<64x512xf32> to vector<1x64x512xf32>
    %stack3A_232 = vector.shape_cast %dot_general3A_196 : vector<64x512xf32> to vector<1x64x512xf32>
    %stack3A_233 = vector.shape_cast %dot_general3A_202 : vector<64x512xf32> to vector<1x64x512xf32>
    %stack3A_234 = tpu.concatenate %stack3A, %stack3A_203, %stack3A_204, %stack3A_205, %stack3A_206, %stack3A_207, %stack3A_208, %stack3A_209, %stack3A_210, %stack3A_211, %stack3A_212, %stack3A_213, %stack3A_214, %stack3A_215, %stack3A_216, %stack3A_217, %stack3A_218, %stack3A_219, %stack3A_220, %stack3A_221, %stack3A_222, %stack3A_223, %stack3A_224, %stack3A_225, %stack3A_226, %stack3A_227, %stack3A_228, %stack3A_229, %stack3A_230, %stack3A_231, %stack3A_232, %stack3A_233 in 0 : vector<1x64x512xf32>, vector<1x64x512xf32>, vector<1x64x512xf32>, vector<1x64x512xf32>, vector<1x64x512xf32>, vector<1x64x512xf32>, vector<1x64x512xf32>, vector<1x64x512xf32>, vector<1x64x512xf32>, vector<1x64x512xf32>, vector<1x64x512xf32>, vector<1x64x512xf32>, vector<1x64x512xf32>, vector<1x64x512xf32>, vector<1x64x512xf32>, vector<1x64x512xf32>, vector<1x64x512xf32>, vector<1x64x512xf32>, vector<1x64x512xf32>, vector<1x64x512xf32>, vector<1x64x512xf32>, vector<1x64x512xf32>, vector<1x64x512xf32>, vector<1x64x512xf32>, vector<1x64x512xf32>, vector<1x64x512xf32>, vector<1x64x512xf32>, vector<1x64x512xf32>, vector<1x64x512xf32>, vector<1x64x512xf32>, vector<1x64x512xf32>, vector<1x64x512xf32> -> vector<32x64x512xf32>
    %mul3A = arith.mulf %get3A_8, %get3A_8 : vector<32x512x64xf32>
    %reduce_sum3A = arith.constant dense<0.000000e+00> : vector<32x512xf32>
    %reduce_sum3A_235 = vector.multi_reduction <add>, %mul3A, %reduce_sum3A [2] : vector<32x512x64xf32> to vector<32x512xf32>
    %broadcast_in_dim3A = vector.shape_cast %get3A_13 : vector<32x64xf32> to vector<32x64x1xf32>
    %mul3A_236 = arith.constant 2.000000e+00 : f32
    %mul3A_237 = vector.broadcast %mul3A_236 : f32 to vector<32x64x512xf32>
    %mul3A_238 = arith.mulf %mul3A_237, %stack3A_234 : vector<32x64x512xf32>
    %sub3A = vector.broadcast %broadcast_in_dim3A : vector<32x64x1xf32> to vector<32x64x512xf32>
    %sub3A_239 = arith.subf %sub3A, %mul3A_238 : vector<32x64x512xf32>
    %broadcast_in_dim3A_240 = vector.shape_cast %reduce_sum3A_235 : vector<32x512xf32> to vector<32x1x512xf32>
    %add3A = vector.broadcast %broadcast_in_dim3A_240 : vector<32x1x512xf32> to vector<32x64x512xf32>
    %add3A_241 = arith.addf %sub3A_239, %add3A : vector<32x64x512xf32>
    %reduce_min3A = arith.constant dense<0x7F800000> : vector<32x64xf32>
    %reduce_min3A_242 = vector.multi_reduction <minimumf>, %add3A_241, %reduce_min3A [2] : vector<32x64x512xf32> to vector<32x64xf32>
    %broadcast_in_dim3A_243 = vector.shape_cast %reduce_min3A_242 : vector<32x64xf32> to vector<32x64x1xf32>
    %eq3A_244 = vector.broadcast %broadcast_in_dim3A_243 : vector<32x64x1xf32> to vector<32x64x512xf32>
    %eq3A_245 = arith.cmpf oeq, %add3A_241, %eq3A_244 : vector<32x64x512xf32>
    %iota3A = tpu.iota {dimensions = array<i32: 2>} : vector<32x64x512xi32>
    %jit3A = arith.constant 512 : i32
    %broadcast_in_dim3A_246 = vector.broadcast %jit3A : i32 to vector<32x64x512xi32>
    %select_n3A = arith.select %eq3A_245, %iota3A, %broadcast_in_dim3A_246 : vector<32x64x512xi1>, vector<32x64x512xi32>
    %reduce_min3A_247 = arith.constant dense<2147483647> : vector<32x64xi32>
    %reduce_min3A_248 = vector.multi_reduction <minsi>, %select_n3A, %reduce_min3A_247 [2] : vector<32x64x512xi32> to vector<32x64xi32>
    %swap3A = arith.constant 0 : index
    %swap3A_249 = arith.constant 0 : index
    %swap3A_250 = arith.constant 0 : index
    %swap3A_251 = vector.load %arg4[%swap3A, %swap3A_249, %swap3A_250] : memref<32x1x64xi32, #tpu.memory_space<vmem>>, vector<32x1x64xi32>
    %swap3A_252 = vector.shape_cast %swap3A_251 : vector<32x1x64xi32> to vector<32x64xi32>
    %swap3A_253 = vector.shape_cast %reduce_min3A_248 : vector<32x64xi32> to vector<32x1x64xi32>
    tpu.vector_store %arg4[%swap3A, %swap3A_249, %swap3A_250], %swap3A_253 {strides = array<i32>} : memref<32x1x64xi32, #tpu.memory_space<vmem>>, vector<32x1x64xi32>,
    %get3A_254 = arith.constant 0 : index
    %get3A_255 = arith.constant 0 : index
    %get3A_256 = vector.load %arg5[%get3A_254, %get3A_255] : memref<1x1xf32, #tpu.memory_space<vmem>>, vector<1x1xf32>
    %reduce_sum3A_257 = vector.shape_cast %broadcast_in_dim3A_243 : vector<32x64x1xf32> to vector<1x32x64x1xf32>
    %reduce_sum3A_258 = arith.constant dense<0.000000e+00> : vector<1xf32>
    %reduce_sum3A_259 = vector.multi_reduction <add>, %reduce_sum3A_257, %reduce_sum3A_258 [1, 2, 3] : vector<1x32x64x1xf32> to vector<1xf32>
    %reduce_sum3A_260 = vector.shape_cast %reduce_sum3A_259 : vector<1xf32> to vector<1x1x1x1xf32>
    %reduce_sum3A_261 = vector.extract %reduce_sum3A_260[0, 0, 0, 0] : f32 from vector<1x1x1x1xf32>
    %add3A_262 = vector.broadcast %reduce_sum3A_261 : f32 to vector<1x1xf32>
    %add3A_263 = arith.addf %get3A_256, %add3A_262 : vector<1x1xf32>
    %swap3A_264 = arith.constant 0 : index
    %swap3A_265 = arith.constant 0 : index
    %swap3A_266 = vector.load %arg5[%swap3A_264, %swap3A_265] : memref<1x1xf32, #tpu.memory_space<vmem>>, vector<1x1xf32>
    tpu.vector_store %arg5[%swap3A_264, %swap3A_265], %add3A_263 {strides = array<i32>} : memref<1x1xf32, #tpu.memory_space<vmem>>, vector<1x1xf32>,
    %convert_element_type3A_267 = arith.extui %eq3A_245 : vector<32x64x512xi1> to vector<32x64x512xi32>
    %convert_element_type3A_268 = arith.sitofp %convert_element_type3A_267 : vector<32x64x512xi32> to vector<32x64x512xf32>
    %reduce_max3A = arith.constant dense<0xFF800000> : vector<32x512xf32>
    %reduce_max3A_269 = vector.multi_reduction <maximumf>, %convert_element_type3A_268, %reduce_max3A [1] : vector<32x64x512xf32> to vector<32x512xf32>
    %get3A_270 = arith.constant 0 : index
    %get3A_271 = arith.constant 0 : index
    %get3A_272 = vector.load %arg6[%get3A_270, %get3A_271] : memref<1x1xf32, #tpu.memory_space<vmem>>, vector<1x1xf32>
    %reduce_sum3A_273 = vector.shape_cast %reduce_max3A_269 : vector<32x512xf32> to vector<1x32x512xf32>
    %reduce_sum3A_274 = arith.constant dense<0.000000e+00> : vector<1xf32>
    %reduce_sum3A_275 = vector.multi_reduction <add>, %reduce_sum3A_273, %reduce_sum3A_274 [1, 2] : vector<1x32x512xf32> to vector<1xf32>
    %reduce_sum3A_276 = vector.shape_cast %reduce_sum3A_275 : vector<1xf32> to vector<1x1x1xf32>
    %reduce_sum3A_277 = vector.extract %reduce_sum3A_276[0, 0, 0] : f32 from vector<1x1x1xf32>
    %add3A_278 = vector.broadcast %reduce_sum3A_277 : f32 to vector<1x1xf32>
    %add3A_279 = arith.addf %get3A_272, %add3A_278 : vector<1x1xf32>
    %swap3A_280 = arith.constant 0 : index
    %swap3A_281 = arith.constant 0 : index
    %swap3A_282 = vector.load %arg6[%swap3A_280, %swap3A_281] : memref<1x1xf32, #tpu.memory_space<vmem>>, vector<1x1xf32>
    tpu.vector_store %arg6[%swap3A_280, %swap3A_281], %add3A_279 {strides = array<i32>} : memref<1x1xf32, #tpu.memory_space<vmem>>, vector<1x1xf32>,
    return
  }
  func.func @transform_0(%arg0: i32) -> (i32, i32, i32) {
    %c0_i32 = arith.constant 0 : i32
    %c0_i32_0 = arith.constant 0 : i32
    %c0_i32_1 = arith.constant 0 : i32
    return %arg0, %c0_i32, %c0_i32_0 : i32, i32, i32
  }
  func.func @transform_1(%arg0: i32) -> (i32, i32, i32) {
    %c0_i32 = arith.constant 0 : i32
    %c0_i32_0 = arith.constant 0 : i32
    %c0_i32_1 = arith.constant 0 : i32
    return %arg0, %c0_i32, %c0_i32_0 : i32, i32, i32
  }
  func.func @transform_2(%arg0: i32) -> (i32, i32, i32) {
    %c0_i32 = arith.constant 0 : i32
    %c0_i32_0 = arith.constant 0 : i32
    %c0_i32_1 = arith.constant 0 : i32
    return %arg0, %c0_i32, %c0_i32_0 : i32, i32, i32
  }
  func.func @transform_3(%arg0: i32) -> (i32, i32, i32) {
    %c0_i32 = arith.constant 0 : i32
    %c0_i32_0 = arith.constant 0 : i32
    %c0_i32_1 = arith.constant 0 : i32
    return %arg0, %c0_i32, %c0_i32_0 : i32, i32, i32
  }
  func.func @transform_4(%arg0: i32) -> (i32, i32) {
    %c0_i32 = arith.constant 0 : i32
    %c0_i32_0 = arith.constant 0 : i32
    %c0_i32_1 = arith.constant 0 : i32
    return %c0_i32, %c0_i32_0 : i32, i32
  }
  func.func @transform_5(%arg0: i32) -> (i32, i32) {
    %c0_i32 = arith.constant 0 : i32
    %c0_i32_0 = arith.constant 0 : i32
    %c0_i32_1 = arith.constant 0 : i32
    return %c0_i32, %c0_i32_0 : i32, i32
  }
}

</mosaic_0001>

<sc_bundles>
// kernel: kernel.4.cloned.1.call-start
scs
__scs_entry_jumppad:
0x0: {  	(pc) =	sbr.rel $0x88, $3  }
0x1: {  	(tag) =	ssettag $0x0;
	lr =	simm.s32 $0x1  }
0x2: {  	[smem:$0x3F9F] =	sst lr;
	_ =	strace $0xD0000000  }
0x3: {  	_ = 	snop  }
0x4: {  	_ = 	snop  }
0x5: {  	_ = 	snop  }
0x6: {  	_ = 	snop  }
0x7: {  	_ = 	snop  }
__scs_overlays_trampoline_lowered:
0x8: {  	[smem:$0x3FAE] =	sst s0  }
0x9: {  	[smem:$0x3FAF] =	sst s1  }
0xa: {  	[smem:$0x3FB0] =	sst s2  }
0xb: {  	[smem:$0x3FB1] =	sst s3  }
0xc: {  	[smem:$0x3FB2] =	sst s4  }
0xd: {  	[smem:$0x3FB3] =	sst s5  }
0xe: {  	[smem:$0x3FB4] =	sst s6  }
0xf: {  	[smem:$0x3FB5] =	sst s7  }
0x10: {  	[smem:$0x3FB6] =	sst s8  }
0x11: {  	[smem:$0x3FB7] =	sst s9;
	s0 =	simm.s32 @!p0 $0x0  }
0x12: {  	s1 =	sld [smem:$0x3F9D];
	s0 =	simm.s32 @p0 $0x1  }
0x13: {  	[smem:$0x3FB8] =	sst s0;
	s0 =	simm.s32 @!p1 $0x0  }
0x14: {  	s2 =	sld [smem:$0x3F9C];
	s0 =	simm.s32 @p1 $0x1  }
0x15: {  	[smem:$0x3FB9] =	sst s0;
	s0 =	simm.s32 @!p2 $0x0  }
0x16: {  	s3 =	sld [smem:$0x3FDB];
	s0 =	simm.s32 @p2 $0x1  }
0x17: {  	s4 =	simm.s32 $0x1BF5;
	[smem:$0x3FBB] =	sst s0  }
0x18: {  	s0 =	sld [smem:$0x3F9E];
	_ =	swait.ge [sflag:s4], $0x0  }
0x19: {  	s7 =	sld [smem:$0x3F9F]  }
0x1a: {  	s8 =	sadd.s32 $0xFFFFE003, lr  }
0x1b: {  	s9 =	sadd.s32 $0xFFFFFEF7, lr;
	s5 =	simm.s32 $0xFFFFFFFF;
	p2 =	slt.u32 s8, $0xFFFFF086  }
0x1c: {  	p1 =	slt.u32 s9, $0xF7A;
	s5 =	simm.s32 @!p2 $0x0  }
0x1d: {  	s5 =	simm.s32 @p1 $0x1;
	p0 =	seq.s32 s7, s2  }
0x1e: {  	s7 =	smul.u32 @!p0 $0xF7A, s2;
	p2 =	seq.s32 @!p0 s5, $0x0  }
0x1f: {  	s9 =	smul.u32 $0xF7A, s1;
	s8 =	simm.s32 @!p0 $0x1BF5;
	p2 =	por !p2, p0  }
0x20: {  	[sflag:s8] =	ssyncset.s32 @!p0 $0xFFFFF086;
	s6 =	sadd.s32 @!p0 s3, s7;
	s7 =	simm.s32 @!p0 $0x108  }
0x21: {  	s3 =	sadd.s32 s3, s9;
	s6 =	sadd.s32 @!p0 $0x88, s6;
	s7 =	simm.s32 @p2 $0x1082  }
0x22: {  	[simem:s7], [sflag:s8] =	dma.local @!p0 [hbm:s6], $0xF7A  }
0x23: {  	s9 =	sor.u32 $0xD0000000, s2;
	s6 =	simm.s32 $0x108;
	_ =	swait.ge @!p0 [sflag:s8], $0x0  }
0x24: {  	s3 =	sadd.s32 $0x88, s3;
	s6 =	simm.s32 @!p1 $0x1082;
	[sflag:s4] =	ssyncset.s32 $0xFFFFF086  }
0x25: {  	[simem:s6], [sflag:s4] =	dma.local [hbm:s3], $0xF7A  }
0x26: {  	[smem:$0x3F9F] =	sst s1;
	(tag) =	ssettag s2;
	_ =	strace s9  }
0x27: {  	s1 =	sld [smem:$0x3FAF]  }
0x28: {  	s2 =	sld [smem:$0x3FB0]  }
0x29: {  	s4 =	sld [smem:$0x3FB2]  }
0x2a: {  	p0 =	seq.s32 s5, $0x0;
	s5 =	sld [smem:$0x3FB3]  }
0x2b: {  	s6 =	sld [smem:$0x3FB4]  }
0x2c: {  	s7 =	sld [smem:$0x3FB5]  }
0x2d: {  	s3 =	simm.s32 $0x108;
	s8 =	sld [smem:$0x3FB6]  }
0x2e: {  	s3 =	simm.s32 @!p0 $0x1082;
	s9 =	sld [smem:$0x3FB7]  }
0x2f: {  	lr =	sadd.s32 s0, s3;
	s0 =	sld [smem:$0x3FAE]  }
0x30: {  	s3 =	sld [smem:$0x3FB1]  }
0x31: {  	[smem:$0x3FBA] =	sst s10  }
0x32: {  	s10 =	sld [smem:$0x3FB8];
	_ =	sdelay $0x3  }
0x33: {  	p0 =	seq.s32 s10, $0x1;
	s10 =	sld [smem:$0x3FBA];
	_ =	sdelay $0x3  }
0x34: {  	[smem:$0x3FBA] =	sst s10  }
0x35: {  	s10 =	sld [smem:$0x3FB9];
	_ =	sdelay $0x3  }
0x36: {  	p1 =	seq.s32 s10, $0x1;
	s10 =	sld [smem:$0x3FBA];
	_ =	sdelay $0x3  }
0x37: {  	[smem:$0x3FBA] =	sst s10  }
0x38: {  	s10 =	sld [smem:$0x3FBB]  }
0x39: {  	_ = 	snop;
	(pc) =	sbr.ind lr, $3  }
0x3a: {  	_ = 	snop  }
0x3b: {  	_ = 	snop  }
0x3c: {  	p2 =	seq.s32 s10, $0x1;
	s10 =	sld [smem:$0x3FBA]  }
0x3d: {  	_ =	shalt  }
0x3e: {  	_ =	shalt  }
0x3f: {  	_ =	shalt  }
0x40: {  	_ =	shalt  }
0x41: {  	_ =	shalt  }
0x42: {  	_ =	shalt  }
0x43: {  	_ =	shalt  }
0x44: {  	_ =	shalt  }
0x45: {  	_ =	shalt  }
0x46: {  	_ =	shalt  }
0x47: {  	_ =	shalt  }
0x48: {  	_ =	shalt  }
0x49: {  	_ =	shalt  }
0x4a: {  	_ =	shalt  }
0x4b: {  	_ =	shalt  }
0x4c: {  	_ =	shalt  }
0x4d: {  	_ =	shalt  }
0x4e: {  	_ =	shalt  }
0x4f: {  	_ =	shalt  }
0x50: {  	_ =	shalt  }
0x51: {  	_ =	shalt  }
0x52: {  	_ =	shalt  }
0x53: {  	_ =	shalt  }
0x54: {  	_ =	shalt  }
0x55: {  	_ =	shalt  }
0x56: {  	_ =	shalt  }
0x57: {  	_ =	shalt  }
0x58: {  	_ =	shalt  }
0x59: {  	_ =	shalt  }
0x5a: {  	_ =	shalt  }
0x5b: {  	_ =	shalt  }
0x5c: {  	_ =	shalt  }
0x5d: {  	_ =	shalt  }
0x5e: {  	_ =	shalt  }
0x5f: {  	_ =	shalt  }
0x60: {  	_ =	shalt  }
0x61: {  	_ =	shalt  }
0x62: {  	_ =	shalt  }
0x63: {  	_ =	shalt  }
0x64: {  	_ =	shalt  }
0x65: {  	_ =	shalt  }
0x66: {  	_ =	shalt  }
0x67: {  	_ =	shalt  }
0x68: {  	_ =	shalt  }
0x69: {  	_ =	shalt  }
0x6a: {  	_ =	shalt  }
0x6b: {  	_ =	shalt  }
0x6c: {  	_ =	shalt  }
0x6d: {  	_ =	shalt  }
0x6e: {  	_ =	shalt  }
0x6f: {  	_ =	shalt  }
0x70: {  	_ =	shalt  }
0x71: {  	_ =	shalt  }
0x72: {  	_ =	shalt  }
0x73: {  	_ =	shalt  }
0x74: {  	_ =	shalt  }
0x75: {  	_ =	shalt  }
0x76: {  	_ =	shalt  }
0x77: {  	_ =	shalt  }
0x78: {  	_ =	shalt  }
0x79: {  	_ =	shalt  }
0x7a: {  	_ =	shalt  }
0x7b: {  	_ =	shalt  }
0x7c: {  	_ =	shalt  }
0x7d: {  	_ =	shalt  }
0x7e: {  	_ =	shalt  }
0x7f: {  	_ =	shalt  }
0x80: {  	_ =	shalt  }
0x81: {  	_ =	shalt  }
0x82: {  	_ =	shalt  }
0x83: {  	_ =	shalt  }
0x84: {  	_ =	shalt  }
0x85: {  	_ =	shalt  }
0x86: {  	_ =	shalt  }
0x87: {  	_ =	shalt  }
.Lfunc_end0:
.L_simem_size_0:
called_computation_lowered:
.L_overlay_start_0:
0x88: {  	s2 =	sld [smem:$0x3FD9]  }
0x89: {  	s3 =	sld [smem:$0x3FFE];
	_ =	sdelay $0x1  }
0x8a: {  	s1 =	srdreg.scid  }
0x8b: {  	s0 =	sand.u32 $0x1, s1  }
0x8c: {  	s14 =	sshll.u32 s0, $0xA;
	s2 =	sadd.s32 s3, s2  }
0x8d: {  	s2 =	sadd.s32 s2, s14  }
0x8e: {  	[smem:$0x3FC6] =	sst s2  }
0x8f: {  	_ = 	snop  }
0x90: {  	s2 =	sld [smem:$0x3FD0];
	_ =	sdelay $0x2  }
0x91: {  	s15 =	simm.s32 $0xA;
	s4 =	simm.s32 $0x10  }
0x92: {  	[smem:s4], [sflag:s15] =	dma.local [hbm:s2], $0x1  }
0x93: {  	_ =	swait.eq [sflag:s15], $0x1  }
0x94: {  	[sflag:s15] =	ssyncset.done $0x0  }
0x95: {  	[sflag:s15] =	ssyncadd.s32 $0xFFFFFFFF  }
0x96: {  	s16 =	sld [smem:$0x10];
	(tm) =	ssettm $0x1  }
0x97: {  	s17 =	sld [smem:$0x3FFB];
	_ =	sdelay $0x3  }
0x98: {  	_ =	strace s17  }
0x99: {  	s3 =	sld [smem:$0x3FFC];
	_ =	sdelay $0x3  }
0x9a: {  	_ =	strace s3  }
0x9b: {  	s3 =	sld [smem:$0x3FFD];
	_ =	sdelay $0x3  }
0x9c: {  	_ =	strace s3  }
0x9d: {  	_ =	strace $0x8FFFFFFF  }
0x9e: {  	s18 =	sld [smem:$0x3FDB];
	_ =	sdelay $0x1  }
0x9f: {  	s19 =	simm.s32 $_scs_section_size  }
0xa0: {  	s5 =	simm.s32 $_size__tile_overlayer_lowered;
	s6 =	simm.s32 $_tile_overlayer_lowered  }
0xa1: {  	s22 =	simm.s32 $0x1BFF;
	s21 =	sshll.u32 s6, $0x1;
	s3 =	sadd.s32 s19, s18  }
0xa2: {  	s7 =	simm.s32 $0x0;
	s20 =	sshll.u32 s5, $0x1;
	s5 =	sadd.s32 s21, s3  }
0xa3: {  	[timem:s7], [sflag:s22] =	dma.local [hbm:s5], s20  }
0xa4: {  	_ =	swait.ge [sflag:s22], s20  }
0xa5: {  	s4 =	ssub.s32 $0x0, s20;
	[sflag:s22] =	ssyncset.done $0x0  }
0xa6: {  	[sflag:s22] =	ssyncadd.s32 s4;
	_ =	sdelay $0x1  }
0xa7: {  	s23 =	simm.s32 $0x1B8B  }
0xa8: {  	_ =	swait.ge [sflag:s23], $0x1  }
0xa9: {  	[sflag:s23] =	ssyncset.done $0x0  }
0xaa: {  	s25 =	simm.s32 $0x1B8E;
	s24 =	sld [smem:$0x3FFE];
	[sflag:s23] =	ssyncadd.s32 $0xFFFFFFFF  }
0xab: {  	s26 =	simm.s32 $execute0_lowered;
	[smem:$0x3FD2] =	sst s25  }
0xac: {  	s5 =	sshll.u32 s26, $0x1;
	_ =	strace $0x80000046;
	[dreg:$0x1] =	wrdreg $0xFFFFFFFF  }
0xad: {  	s28 =	simm.s32 $_size_execute0_lowered;
	s3 =	sadd.s32 s3, s5;
	[dreg:$0x0] =	wrdreg $0x0  }
0xae: {  	s5 =	sshll.u32 s28, $0x1;
	[dreg:$0x2] =	wrdreg s3  }
0xaf: {  	[dreg:$0x3] =	wrdreg s5  }
0xb0: {  	[dreg:$0x4] =	wrdreg $0xC0  }
0xb1: {  	_ =	task [dreg:s7], $0x5FFFF  }
0xb2: {  	[dreg:$0x1] =	wrdreg $0xFFFFFFFF  }
0xb3: {  	[dreg:$0x0] =	wrdreg $0x60  }
0xb4: {  	[dreg:$0x2] =	wrdreg s24  }
0xb5: {  	[dreg:$0x3] =	wrdreg s16  }
0xb6: {  	[dreg:$0x4] =	wrdreg $0x9  }
0xb7: {  	_ =	task.clear_ibuf [dreg:s7], $0x5FFFF;
	_ =	strace $0x90000046  }
0xb8: {  	s29 =	simm.s32 $0x9;
	_ =	strace $0x80000048  }
0xb9: {  	_ =	swait.ge [sflag:s29], $0x1  }
0xba: {  	[sflag:s29] =	ssyncadd.s32 $0xFFFFFFFF  }
0xbb: {  	_ =	strace $0x90000048  }
0xbc: {  	_ =	sfence  }
0xbd: {  	s30 =	sld [smem:$0x0];
	_ =	sdelay $0x2  }
0xbe: {  	s31 =	sshll.u32 s1, $0xD;
	s1 =	sshrl.u32 s1, $0x2  }
0xbf: {  	s3 =	sand.u32 $0x4000, s31;
	s1 =	sadd.s32 s1, s30  }
0xc0: {  	s0 =	sor.u32 s3, s0;
	s1 =	sshll.u32 s1, $0x11  }
0xc1: {  	s0 =	sor.u32 s1, s0  }
0xc2: {  	s0 =	sadd.s32 $0x8F2B, s0  }
0xc3: {  	[sflag:s0] =	ssyncadd.remote.s32 $0x1  }
0xc4: {  	_ =	sfence.sel $0xFFFF  }
0xc5: {  	[dreg:$0x0] =	wrdreg $0xFFFFFFFF;
	(pc) =	sbr.abs _section_cstart, $3  }
0xc6: {  	[dreg:$0x1] =	wrdreg $0xFFFFFFFF  }
0xc7: {  	_ =	task.clear_ibuf [dreg:s7], $0x2FFFF;
	_ =	strace $0x9FFFFFFF  }
0xc8: {  	(tm) =	ssettm $0x7FFFFFFF  }
0xc9: {  	_ =	shalt  }
tec
execute0_lowered:
.L_overlay_start_1:
0x0: {  	(tag) =	ssettag $0x1  }
0x1: {  	s1 =	srdreg.scid  }
0x2: {  	s8 =	rddreg [dreg:$0x0];
	s0 =	stileid.u32  }
0x3: {  	s3 =	rddreg [dreg:$0x1];
	s2 =	simm.s32 $0x0;
	s6 =	sand.u32 $0x1, s1  }
0x4: {  	s4 =	sshll.u32 s0, $0xA;
	s1 =	rddreg [dreg:$0x2];
	s5 =	sshll.u32 s6, $0x9  }
0x5: {  	s7 =	simm.s32 $0x1;
	[smem:$0x7FF] =	sst s2;
	s9 =	sor.u32 s5, s4  }
0x6: {  	_ =	strace $0x80000047;
	s10 =	ssub.s32 $0x2, s6;
	s4 =	sshrl.u32 s9, $0x3  }
0x7: {  	s6 =	simm.s32 $0x200;
	s4 =	sadd.s32 s3, s4;
	s3 =	simm.s32 $0x2  }
0x8: {  	[tilespmem:s2], [sflag:$0x2] =	stream.linear.gather [hbm4b:s4+s2], $0x200, $0x38;
	[tilespmem:$0x10200] =	vst v63  }
0x9: {  	s5 =	sadd.s32 $0x200400, s8;
	s11 =	sshrl.u32 s10, $0x1;
	_ =	swait.ge [sflag:s3], $0x200  }
0xa: {  	s9 =	sshll.u32 s9, $0x4;
	s31 =	ssub.s32 s10, s11;
	[sflag:s3] =	ssyncset.done $0x0  }
0xb: {  	s8 =	sadd.s32 s9, s8;
	s9 =	smax.u32 s31, $0x1;
	[sflag:s3] =	ssyncadd.s32 $0xFFFFFE00  }
0xc: {  	[tilespmem:s6], [sflag:$0x1] =	stream.indirect.gather [hbm4b:s5+s6], $0x80, s2, s6, $0xb8;
	[tilespmem:$0x10200] =	vst v63  }
0xd: {  	p0 =	sne.s32 s9, $0x1;
	_ =	swait.ge [sflag:s7], $0x10000  }
.Ltmp0:
0xe: {  	[sflag:s7] =	ssyncset.done $0x0;
	(pc) =	sbr.rel @!p0 .LBB2_2-.Ltmp0, $4  }
0xf: {  	s8 =	sadd.s32 $0x400, s8;
	[sflag:s7] =	ssyncadd.s32 $0xFFFF0000  }
0x10: {  	[hbm4b:s8+s2] =	stream.linear.scatter [tilespmem:s6], [sflag:$0x2], $0x10000, $0x38;
	[tilespmem:$0x10200] =	vst v63  }
0x11: {  	_ =	swait.ge [sflag:s3], $0x10000  }
0x12: {  	s9 =	sadd.s32 $0xFFFFFFFF, s9;
	[sflag:s3] =	ssyncset.done $0x0  }
.LBB2_1:
0x13: {  	p0 =	sne.s32 s9, $0x1;
	s9 =	sadd.s32 $0xFFFFFFFF, s9;
	[sflag:s3] =	ssyncadd.s32 $0xFFFF0000  }
0x14: {  	[tilespmem:s2], [sflag:$0x2] =	stream.linear.gather [hbm4b:s4+s2], $0x200, $0x38;
	[tilespmem:$0x10200] =	vst v63  }
0x15: {  	_ =	swait.ge [sflag:s3], $0x200  }
0x16: {  	[sflag:s3] =	ssyncset.done $0x0  }
0x17: {  	[sflag:s3] =	ssyncadd.s32 $0xFFFFFE00  }
0x18: {  	[tilespmem:s6], [sflag:$0x1] =	stream.indirect.gather [hbm4b:s5+s6], $0x80, s2, s6, $0xb8;
	[tilespmem:$0x10200] =	vst v63  }
0x19: {  	_ =	swait.ge [sflag:s7], $0x10000  }
.Ltmp1:
0x1a: {  	[sflag:s7] =	ssyncset.done $0x0;
	(pc) =	sbr.rel @p0 .LBB2_1-.Ltmp1, $4  }
0x1b: {  	[sflag:s7] =	ssyncadd.s32 $0xFFFF0000  }
0x1c: {  	[hbm4b:s8+s2] =	stream.linear.scatter [tilespmem:s6], [sflag:$0x2], $0x10000, $0x38;
	[tilespmem:$0x10200] =	vst v63  }
0x1d: {  	_ =	swait.ge [sflag:s3], $0x10000  }
0x1e: {  	[sflag:s3] =	ssyncset.done $0x0  }
.LBB2_2:
0x1f: {  	[sflag:s3] =	ssyncadd.s32 $0xFFFF0000  }
0x20: {  	_ =	sfence.sel $0x180000  }
0x21: {  	[bflag:$0x0] =	sbarrier.arrive $0xFFFF  }
0x22: {  	p0 =	sne.s32 s0, $0x0;
	_ =	strace $0x90000047  }
0x23: {  	s0 =	sadd.s32 @!p0 $0x100000, s1;
	[bflag:$0x2] =	sbarrier.arrive $0xFFFF  }
0x24: {  	[sflag:s0] =	ssyncadd.tile.s32 @!p0 $0x1;
	_ =	shalt  }
.Lfunc_end2:
_tile_overlayer_lowered:
.L_overlay_start_2:
0x25: {  	(tag) =	ssettag $0x2  }
0x26: {  	s0 =	rddreg [dreg:$0x0];
	s2 =	stileid.u32  }
0x27: {  	s1 =	rddreg [dreg:$0x1];
	p0 =	sne.s32 s2, $0x0  }
0x28: {  	s3 =	rddreg [dreg:$0x2];
	[bflag:$0x3] =	sbarrier.arrive $0xFFFF;
	s2 =	simm.s32 @!p0 $0x1C02  }
0x29: {  	[timem:s3], [sflag:s2] =	dma.local @!p0 [hbm:s0], s1  }
0x2a: {  	s0 =	simm.s32 @!p0 $0x2  }
0x2b: {  	_ =	swait.ge @!p0 [sflag:s0], s1  }
0x2c: {  	s1 =	ssub.s32 @!p0 $0x0, s1;
	[sflag:s0] =	ssyncset.done @!p0 $0x0  }
0x2d: {  	[sflag:s0] =	ssyncadd.s32 @!p0 s1  }
0x2e: {  	[bflag:$0x3] =	sbarrier.arrive $0xFFFF  }
0x2f: {  	_ =	shalt  }

</sc_bundles>
